<compile_context>
chip_gen: v7x
topology: tpu7x:2x2x1
jax: 0.10.2.dev20260603
libtpu: 0.0.44.dev20260713+nightly
codegen_flags: <defaults>
</compile_context>

<pallas_src>
import dataclasses
import functools

import jax
import jax.numpy as jnp
from jax import lax
from jax.experimental import pallas as pl
from jax.experimental.pallas import tpu as pltpu
from jax.experimental.pallas import tpu_sc as plsc

N_NODES = 10000
D = 128
N_EDGES = 320000
EPS = 1e-5

NC = 2
NS = 16
NW = NC * NS
CHUNK = 128
CPT = 80
EPT = CPT * CHUNK
EPAD = NW * EPT
NPAD = 10240
ROWS_PER_TILE = NPAD // NS

_mesh = plsc.VectorSubcoreMesh(core_axis_name="c", subcore_axis_name="s")

_sc_params = pltpu.CompilerParams()
if "needs_layout_passes" in pltpu.CompilerParams.__dataclass_fields__:
    _sc_params = dataclasses.replace(_sc_params, needs_layout_passes=False)



@jax.jit
def _sc_deg(w_flat, col2d):

    @functools.partial(
        pl.kernel,
        mesh=_mesh,
        out_type=jax.ShapeDtypeStruct((NC, NPAD, D), jnp.float32),
        compiler_params=_sc_params,
        scratch_types=[
            pltpu.VMEM((CPT, CHUNK), jnp.int32),
            pltpu.VMEM((EPT,), jnp.float32),
            pltpu.VMEM((CHUNK, D), jnp.float32),
            pltpu.VMEM_SHARED((NPAD, D), jnp.float32),
        ],
    )
    def k(w_hbm, col_hbm, out_hbm, cidx, wv, rbuf, acc):
        cid = lax.axis_index("c")
        sid = lax.axis_index("s")
        wid = sid * NC + cid
        pltpu.sync_copy(col_hbm.at[pl.ds(wid * CPT, CPT)], cidx)
        pltpu.sync_copy(w_hbm.at[pl.ds(wid * EPT, EPT)], wv)

        @pl.loop(0, CHUNK)
        def _(i):
            for j in range(D // 16):
                rbuf[i, pl.ds(j * 16, 16)] = jnp.zeros((16,), jnp.float32)

        @pl.loop(0, 5)
        def _(z):
            pltpu.sync_copy(
                rbuf,
                acc.at[pl.ds(sid * ROWS_PER_TILE + z * CHUNK, CHUNK)],
            )

        plsc.subcore_barrier()

        @pl.loop(0, CPT)
        def _(ci):
            @pl.loop(0, CHUNK)
            def _(e):
                wbc = plsc.load_gather(
                    wv, [jnp.full((16,), ci * CHUNK + e, jnp.int32)]
                )
                for j in range(D // 16):
                    rbuf[e, pl.ds(j * 16, 16)] = wbc

            pltpu.sync_copy(rbuf, acc.at[cidx.at[ci]], add=True)

        plsc.subcore_barrier()
        pltpu.sync_copy(
            acc.at[pl.ds(sid * ROWS_PER_TILE, ROWS_PER_TILE)],
            out_hbm.at[cid, pl.ds(sid * ROWS_PER_TILE, ROWS_PER_TILE)],
        )

    return k(w_flat, col2d)


@jax.jit
def _sc_conv(g, row2d, col2d, w_flat):

    @functools.partial(
        pl.kernel,
        mesh=_mesh,
        out_type=jax.ShapeDtypeStruct((NC, NPAD, D), jnp.float32),
        compiler_params=_sc_params,
        scratch_types=[
            pltpu.VMEM((CPT, CHUNK), jnp.int32),
            pltpu.VMEM((CHUNK, D), jnp.float32),
            pltpu.VMEM((CHUNK, D), jnp.float32),
            pltpu.VMEM((1, CHUNK), jnp.int32),
            pltpu.VMEM((1, CHUNK), jnp.int32),
            pltpu.VMEM((CHUNK,), jnp.float32),
            pltpu.VMEM((CHUNK,), jnp.float32),
            pltpu.VMEM_SHARED((NPAD, D), jnp.float32),
            pltpu.SemaphoreType.DMA,
            pltpu.SemaphoreType.DMA,
            pltpu.SemaphoreType.DMA,
            pltpu.SemaphoreType.DMA,
            pltpu.SemaphoreType.DMA,
            pltpu.SemaphoreType.DMA,
            pltpu.SemaphoreType.DMA,
            pltpu.SemaphoreType.DMA,
        ],
    )
    def k(g_hbm, row_hbm, col_hbm, w_hbm, out_hbm, ridx,
          rb0, rb1, cb0, cb1, wb0, wb1, acc, g0, g1, s0, s1, a0, a1, h0, h1):
        cid = lax.axis_index("c")
        sid = lax.axis_index("s")
        wid = sid * NC + cid
        bufs = (rb0, rb1)
        cbufs = (cb0, cb1)
        wbufs = (wb0, wb1)
        gsem = (g0, g1)
        hsem = (h0, h1)
        ssem = (s0, s1)
        asem = (a0, a1)
        pltpu.sync_copy(row_hbm.at[pl.ds(wid * CPT, CPT)], ridx)

        @pl.loop(0, CHUNK)
        def _(i):
            for j in range(D // 16):
                rb0[i, pl.ds(j * 16, 16)] = jnp.zeros((16,), jnp.float32)

        @pl.loop(0, 5)
        def _(z):
            pltpu.sync_copy(
                rb0,
                acc.at[pl.ds(sid * ROWS_PER_TILE + z * CHUNK, CHUNK)],
            )

        plsc.subcore_barrier()

        def fetch_start(cc, b):
            pltpu.make_async_copy(g_hbm.at[ridx.at[cc, pl.ds(0, CHUNK // 2)]],
                                  bufs[b].at[pl.ds(0, CHUNK // 2)], gsem[b]).start()
            pltpu.make_async_copy(g_hbm.at[ridx.at[cc, pl.ds(CHUNK // 2, CHUNK // 2)]],
                                  bufs[b].at[pl.ds(CHUNK // 2, CHUNK // 2)],
                                  hsem[b]).start()
            pltpu.make_async_copy(col_hbm.at[pl.ds(wid * CPT + cc, 1)],
                                  cbufs[b], asem[b]).start()
            pltpu.make_async_copy(w_hbm.at[pl.ds((wid * CPT + cc) * CHUNK, CHUNK)],
                                  wbufs[b], asem[b]).start()

        def fetch_wait(cc, b):
            pltpu.make_async_copy(g_hbm.at[ridx.at[cc, pl.ds(0, CHUNK // 2)]],
                                  bufs[b].at[pl.ds(0, CHUNK // 2)], gsem[b]).wait()
            pltpu.make_async_copy(g_hbm.at[ridx.at[cc, pl.ds(CHUNK // 2, CHUNK // 2)]],
                                  bufs[b].at[pl.ds(CHUNK // 2, CHUNK // 2)],
                                  hsem[b]).wait()
            pltpu.make_async_copy(col_hbm.at[pl.ds(wid * CPT + cc, 1)],
                                  cbufs[b], asem[b]).wait()
            pltpu.make_async_copy(w_hbm.at[pl.ds((wid * CPT + cc) * CHUNK, CHUNK)],
                                  wbufs[b], asem[b]).wait()

        def scatter_start(b):
            pltpu.make_async_copy(bufs[b], acc.at[cbufs[b].at[0]], ssem[b]).start(add=True)

        def scatter_wait(b):
            pltpu.make_async_copy(bufs[b], acc.at[cbufs[b].at[0]], ssem[b]).wait()

        def scale(b):
            buf = bufs[b]
            wbuf = wbufs[b]

            @pl.loop(0, CHUNK)
            def _(e):
                wbc = plsc.load_gather(wbuf, [jnp.full((16,), e, jnp.int32)])
                for j in range(D // 16):
                    slc = pl.ds(j * 16, 16)
                    buf[e, slc] = buf[e, slc] * wbc

        fetch_start(0, 0)

        @pl.loop(0, CPT, step=2)
        def _(ci):
            @pl.when(ci > 0)
            def _():
                scatter_wait(1)

            fetch_start(ci + 1, 1)
            fetch_wait(ci, 0)
            scale(0)
            scatter_start(0)

            scatter_wait(0)

            @pl.when(ci + 2 < CPT)
            def _():
                fetch_start(ci + 2, 0)

            fetch_wait(ci + 1, 1)
            scale(1)
            scatter_start(1)

        scatter_wait(1)

        plsc.subcore_barrier()
        pltpu.sync_copy(
            acc.at[pl.ds(sid * ROWS_PER_TILE, ROWS_PER_TILE)],
            out_hbm.at[cid, pl.ds(sid * ROWS_PER_TILE, ROWS_PER_TILE)],
        )

    return k(g, row2d, col2d, w_flat)



def _mm_body(x_ref, w_ref, o_ref):
    o_ref[...] = jnp.dot(x_ref[...], w_ref[...], preferred_element_type=jnp.float32)


@jax.jit
def _tc_mm(x, W):
    return pl.pallas_call(
        _mm_body,
        out_shape=jax.ShapeDtypeStruct((N_NODES, D), jnp.float32),
    )(x, W)


def _norm_scale_body(deg_ref, h_ref, dinv_ref, g_ref):
    deg = deg_ref[0, :N_NODES, 0:1] + deg_ref[1, :N_NODES, 0:1] + 1.0
    dinv = lax.rsqrt(deg)
    dinv_ref[...] = dinv
    g_ref[...] = h_ref[...] * dinv


@jax.jit
def _tc_norm_scale(deg_p, h):
    return pl.pallas_call(
        _norm_scale_body,
        out_shape=(
            jax.ShapeDtypeStruct((N_NODES, 1), jnp.float32),
            jax.ShapeDtypeStruct((N_NODES, D), jnp.float32),
        ),
    )(deg_p, h)


def _combine_body(s_ref, g_ref, dinv_ref, b_ref, gam_ref, bet_ref, w_ref, o_ref):
    dinv = dinv_ref[...]
    t = dinv * (s_ref[0, :N_NODES] + s_ref[1, :N_NODES] + g_ref[...]) + b_ref[...]
    m = jnp.mean(t, axis=0, keepdims=True)
    v = jnp.mean((t - m) ** 2, axis=0, keepdims=True)
    a = jnp.maximum((t - m) * lax.rsqrt(v + EPS) * gam_ref[...] + bet_ref[...], 0.0)
    o_ref[...] = dinv * jnp.dot(a, w_ref[...], preferred_element_type=jnp.float32)


@jax.jit
def _tc_combine(S_p, g, dinv, b, gam, bet, W_next):
    return pl.pallas_call(
        _combine_body,
        out_shape=jax.ShapeDtypeStruct((N_NODES, D), jnp.float32),
    )(S_p, g, dinv, b, gam, bet, W_next)


def _final_body(s_ref, g_ref, dinv_ref, b_ref, o_ref):
    o_ref[...] = dinv_ref[...] * (s_ref[0, :N_NODES] + s_ref[1, :N_NODES] + g_ref[...]) + b_ref[...]


@jax.jit
def _tc_final(S_p, g, dinv, b):
    return pl.pallas_call(
        _final_body,
        out_shape=jax.ShapeDtypeStruct((N_NODES, D), jnp.float32),
    )(S_p, g, dinv, b)



def kernel(x, edge_index, edge_attr, W1, b1, W2, b2, W3, b3, g1, be1, g2, be2):
    pad = EPAD - N_EDGES
    row_p = jnp.concatenate([edge_index[0], jnp.zeros((pad,), jnp.int32)])
    col_p = jnp.concatenate([edge_index[1], jnp.zeros((pad,), jnp.int32)])
    w_p = jnp.concatenate([edge_attr, jnp.zeros((pad,), jnp.float32)])
    row2d = row_p.reshape(EPAD // CHUNK, CHUNK)
    col2d = col_p.reshape(EPAD // CHUNK, CHUNK)
    deg_p = _sc_deg(w_p, col2d)
    h1 = _tc_mm(x, W1)
    dinv, gg = _tc_norm_scale(deg_p, h1)

    S = _sc_conv(gg, row2d, col2d, w_p)
    gg = _tc_combine(S, gg, dinv, b1, g1, be1, W2)

    S = _sc_conv(gg, row2d, col2d, w_p)
    gg = _tc_combine(S, gg, dinv, b2, g2, be2, W3)

    S = _sc_conv(gg, row2d, col2d, w_p)
    return _tc_final(S, gg, dinv, b3)

# --- scband reference (transcript-rebuilt; emitter-appended) ---
"""Pipeline reference for scband-gcn-41128606826857 (READ-ONLY COPY).

The authoritative reference and input builder live on the scoring server;
editing this copy changes nothing except your own understanding.
"""

import jax, jax.numpy as jnp
import numpy as np

N_NODES = 10000
N_EDGES = 320000
D_IN = 128
D_HID = 128
D_OUT = 128
EPS = 1e-5


def setup_inputs(seed: int = 0) -> dict:
    key = jax.random.key(seed)
    ks = jax.random.split(key, 16)
    inp = {}
    inp["x"] = jax.random.normal(ks[0], (N_NODES, D_IN), dtype=jnp.float32)
    inp["edge_index"] = jax.random.randint(ks[1], (2, N_EDGES), 0, N_NODES, dtype=jnp.int32)
    inp["edge_attr"] = jax.random.uniform(ks[2], (N_EDGES,), dtype=jnp.float32)
    # Learned parameters (GCNConv weights/biases + BatchNorm affine params)
    def glorot(k, fan_in, fan_out):
        s = jnp.sqrt(6.0 / (fan_in + fan_out))
        return jax.random.uniform(k, (fan_in, fan_out), minval=-s, maxval=s, dtype=jnp.float32)
    inp["W1"] = glorot(ks[3], D_IN, D_HID)
    inp["b1"] = jnp.zeros((D_HID,), dtype=jnp.float32)
    inp["W2"] = glorot(ks[4], D_HID, D_HID)
    inp["b2"] = jnp.zeros((D_HID,), dtype=jnp.float32)
    inp["W3"] = glorot(ks[5], D_HID, D_OUT)
    inp["b3"] = jnp.zeros((D_OUT,), dtype=jnp.float32)
    inp["g1"] = jnp.ones((D_HID,), dtype=jnp.float32)
    inp["be1"] = jnp.zeros((D_HID,), dtype=jnp.float32)
    inp["g2"] = jnp.ones((D_HID,), dtype=jnp.float32)
    inp["be2"] = jnp.zeros((D_HID,), dtype=jnp.float32)
    return inp


def _gcn_norm(edge_index, edge_weight, num_nodes):
    # Add self-loops with weight 1, compute symmetric normalization (PyG gcn_norm).
    row = edge_index[0]
    col = edge_index[1]
    loop = jnp.arange(num_nodes, dtype=edge_index.dtype)
    row = jnp.concatenate([row, loop])
    col = jnp.concatenate([col, loop])
    w = jnp.concatenate([edge_weight, jnp.ones((num_nodes,), dtype=edge_weight.dtype)])
    deg = jnp.zeros((num_nodes,), dtype=w.dtype).at[col].add(w)
    deg_inv_sqrt = jnp.where(deg > 0, 1.0 / jnp.sqrt(jnp.where(deg > 0, deg, 1.0)), 0.0)
    norm = deg_inv_sqrt[row] * w * deg_inv_sqrt[col]
    return row, col, norm


def _gcn_conv(x, W, b, row, col, norm, num_nodes):
    h = x @ W
    msg = norm[:, None] * h[row]
    out = jnp.zeros((num_nodes, W.shape[1]), dtype=h.dtype).at[col].add(msg)
    return out + b


def _batch_norm(x, gamma, beta):
    mean = jnp.mean(x, axis=0)
    var = jnp.var(x, axis=0)
    return (x - mean) / jnp.sqrt(var + EPS) * gamma + beta


def reference(x, edge_index, edge_attr, W1, b1, W2, b2, W3, b3, g1, be1, g2, be2):
    num_nodes = x.shape[0]
    # cached=True: normalization computed once and reused across layers
    row, col, norm = _gcn_norm(edge_index, edge_attr, num_nodes)
    h = _gcn_conv(x, W1, b1, row, col, norm, num_nodes)
    h = _batch_norm(h, g1, be1)
    h = jax.nn.relu(h)
    h = _gcn_conv(h, W2, b2, row, col, norm, num_nodes)
    h = _batch_norm(h, g2, be2)
    h = jax.nn.relu(h)
    out = _gcn_conv(h, W3, b3, row, col, norm, num_nodes)
    return out

if __name__ == "__main__":
    import jax
    _d = setup_inputs()
    print(jax.jit(kernel)(*tuple(_d.values())))

</pallas_src>

<mosaic_0001>
#map = affine_map<(d0, d1) -> (0)>
#map1 = affine_map<(d0, d1) -> (0, 0)>
#map2 = affine_map<(d0, d1) -> (0, 0, 0)>
module attributes {stable_mosaic.version = 14 : i64} {
  func.func @k(%arg0: i32, %arg1: i32, %arg2: memref<327680xf32, #tpu.memory_space<hbm>>, %arg3: memref<2560x128xi32, #tpu.memory_space<hbm>>, %arg4: memref<2x10240x128xf32, #tpu.memory_space<hbm>>, %arg5: memref<80x128xi32, #tpu.memory_space<vmem>>, %arg6: memref<10240xf32, #tpu.memory_space<vmem>>, %arg7: memref<128x128xf32, #tpu.memory_space<vmem>>, %arg8: memref<10240x128xf32, #tpu.memory_space<vmem_shared>>) attributes {dimension_semantics = [#tpu.dimension_semantics<core_parallel>, #tpu.dimension_semantics<subcore_parallel>], iteration_bounds = array<i64: 2, 16>, scalar_prefetch = 0 : i64, scratch_operands = 4 : i64, tpu.core_type = #tpu.core_type<sc_vector_subcore>, window_params = [{transform_indices = #map}, {transform_indices = #map1}, {transform_indices = #map2}]} {
    %mul3A = arith.constant 2 : i32
    %mul3A_0 = arith.muli %arg1, %mul3A : i32
    %add3A = arith.addi %mul3A_0, %arg0 : i32
    %mul3A_1 = arith.constant 80 : i32
    %mul3A_2 = arith.muli %add3A, %mul3A_1 : i32
    "tpu.region"() ({
      %run_scoped3A = tpu.sem_alloc : memref<!tpu.dma_semaphore, #tpu.memory_space<semaphore_mem>>
      %dma_start3A = arith.constant 0 : i32
      %dma_start3A_24 = tpu.memref_slice %arg3[%mul3A_2, %dma_start3A] : memref<2560x128xi32, #tpu.memory_space<hbm>> -> memref<80x128xi32, #tpu.memory_space<hbm>>
      %dma_start3A_25 = arith.constant 0 : i32
      %dma_start3A_26 = tpu.memref_slice %arg3[%mul3A_2, %dma_start3A_25] : memref<2560x128xi32, #tpu.memory_space<hbm>> -> memref<80x128xi32, #tpu.memory_space<hbm>>
      tpu.enqueue_dma source(%dma_start3A_26 : memref<80x128xi32, #tpu.memory_space<hbm>>) target(%arg5 : memref<80x128xi32, #tpu.memory_space<vmem>>) target_semaphore(%run_scoped3A : memref<!tpu.dma_semaphore, #tpu.memory_space<semaphore_mem>>)
      %dma_wait3A = arith.constant 0 : i32
      %dma_wait3A_27 = tpu.memref_slice %arg3[%mul3A_2, %dma_wait3A] : memref<2560x128xi32, #tpu.memory_space<hbm>> -> memref<80x128xi32, #tpu.memory_space<hbm>>
      %dma_wait3A_28 = arith.constant 0 : i32
      %dma_wait3A_29 = tpu.memref_slice %arg3[%mul3A_2, %dma_wait3A_28] : memref<2560x128xi32, #tpu.memory_space<hbm>> -> memref<80x128xi32, #tpu.memory_space<hbm>>
      tpu.wait_dma2 semaphore(%run_scoped3A : memref<!tpu.dma_semaphore, #tpu.memory_space<semaphore_mem>>) src(%dma_wait3A_29 : memref<80x128xi32, #tpu.memory_space<hbm>>) dst(%arg5 : memref<80x128xi32, #tpu.memory_space<vmem>>)
      tpu.yield
    }) : () -> ()
    %mul3A_3 = arith.constant 10240 : i32
    %mul3A_4 = arith.muli %add3A, %mul3A_3 : i32
    "tpu.region"() ({
      %run_scoped3A = tpu.sem_alloc : memref<!tpu.dma_semaphore, #tpu.memory_space<semaphore_mem>>
      %dma_start3A = tpu.memref_slice %arg2[%mul3A_4] : memref<327680xf32, #tpu.memory_space<hbm>> -> memref<10240xf32, #tpu.memory_space<hbm>>
      %dma_start3A_24 = tpu.memref_slice %arg2[%mul3A_4] : memref<327680xf32, #tpu.memory_space<hbm>> -> memref<10240xf32, #tpu.memory_space<hbm>>
      tpu.enqueue_dma source(%dma_start3A_24 : memref<10240xf32, #tpu.memory_space<hbm>>) target(%arg6 : memref<10240xf32, #tpu.memory_space<vmem>>) target_semaphore(%run_scoped3A : memref<!tpu.dma_semaphore, #tpu.memory_space<semaphore_mem>>)
      %dma_wait3A = tpu.memref_slice %arg2[%mul3A_4] : memref<327680xf32, #tpu.memory_space<hbm>> -> memref<10240xf32, #tpu.memory_space<hbm>>
      %dma_wait3A_25 = tpu.memref_slice %arg2[%mul3A_4] : memref<327680xf32, #tpu.memory_space<hbm>> -> memref<10240xf32, #tpu.memory_space<hbm>>
      tpu.wait_dma2 semaphore(%run_scoped3A : memref<!tpu.dma_semaphore, #tpu.memory_space<semaphore_mem>>) src(%dma_wait3A_25 : memref<10240xf32, #tpu.memory_space<hbm>>) dst(%arg6 : memref<10240xf32, #tpu.memory_space<vmem>>)
      tpu.yield
    }) : () -> ()
    %scan3A = arith.constant 0 : i32
    %scan3A_5 = arith.constant 128 : i32
    %scan3A_6 = arith.addi %scan3A, %scan3A_5 : i32
    %scan3A_7 = arith.constant 1 : i32
    scf.for %scan3A_24 = %scan3A to %scan3A_6 step %scan3A_7  : i32 {
      %mul3A_25 = arith.constant 1 : i32
      %mul3A_26 = arith.muli %scan3A_24, %mul3A_25 : i32
      %add3A_27 = arith.constant 0 : i32
      %add3A_28 = arith.addi %add3A_27, %mul3A_26 : i32
      %broadcast_in_dim3A = arith.constant 0.000000e+00 : f32
      %broadcast_in_dim3A_29 = vector.broadcast %broadcast_in_dim3A : f32 to vector<16xf32>
      %swap3A = arith.index_cast %add3A_28 : i32 to index
      %swap3A_30 = arith.constant 0 : index
      %swap3A_31 = tpu.vector_load %arg7[%swap3A, %swap3A_30] {strides = array<i32>} : memref<128x128xf32, #tpu.memory_space<vmem>>, vector<16xf32>,
      tpu.vector_store %arg7[%swap3A, %swap3A_30], %broadcast_in_dim3A_29 {strides = array<i32>} : memref<128x128xf32, #tpu.memory_space<vmem>>, vector<16xf32>,
      %broadcast_in_dim3A_32 = arith.constant 0.000000e+00 : f32
      %broadcast_in_dim3A_33 = vector.broadcast %broadcast_in_dim3A_32 : f32 to vector<16xf32>
      %swap3A_34 = arith.index_cast %add3A_28 : i32 to index
      %swap3A_35 = arith.constant 16 : index
      %swap3A_36 = tpu.vector_load %arg7[%swap3A_34, %swap3A_35] {strides = array<i32>} : memref<128x128xf32, #tpu.memory_space<vmem>>, vector<16xf32>,
      tpu.vector_store %arg7[%swap3A_34, %swap3A_35], %broadcast_in_dim3A_33 {strides = array<i32>} : memref<128x128xf32, #tpu.memory_space<vmem>>, vector<16xf32>,
      %broadcast_in_dim3A_37 = arith.constant 0.000000e+00 : f32
      %broadcast_in_dim3A_38 = vector.broadcast %broadcast_in_dim3A_37 : f32 to vector<16xf32>
      %swap3A_39 = arith.index_cast %add3A_28 : i32 to index
      %swap3A_40 = arith.constant 32 : index
      %swap3A_41 = tpu.vector_load %arg7[%swap3A_39, %swap3A_40] {strides = array<i32>} : memref<128x128xf32, #tpu.memory_space<vmem>>, vector<16xf32>,
      tpu.vector_store %arg7[%swap3A_39, %swap3A_40], %broadcast_in_dim3A_38 {strides = array<i32>} : memref<128x128xf32, #tpu.memory_space<vmem>>, vector<16xf32>,
      %broadcast_in_dim3A_42 = arith.constant 0.000000e+00 : f32
      %broadcast_in_dim3A_43 = vector.broadcast %broadcast_in_dim3A_42 : f32 to vector<16xf32>
      %swap3A_44 = arith.index_cast %add3A_28 : i32 to index
      %swap3A_45 = arith.constant 48 : index
      %swap3A_46 = tpu.vector_load %arg7[%swap3A_44, %swap3A_45] {strides = array<i32>} : memref<128x128xf32, #tpu.memory_space<vmem>>, vector<16xf32>,
      tpu.vector_store %arg7[%swap3A_44, %swap3A_45], %broadcast_in_dim3A_43 {strides = array<i32>} : memref<128x128xf32, #tpu.memory_space<vmem>>, vector<16xf32>,
      %broadcast_in_dim3A_47 = arith.constant 0.000000e+00 : f32
      %broadcast_in_dim3A_48 = vector.broadcast %broadcast_in_dim3A_47 : f32 to vector<16xf32>
      %swap3A_49 = arith.index_cast %add3A_28 : i32 to index
      %swap3A_50 = arith.constant 64 : index
      %swap3A_51 = tpu.vector_load %arg7[%swap3A_49, %swap3A_50] {strides = array<i32>} : memref<128x128xf32, #tpu.memory_space<vmem>>, vector<16xf32>,
      tpu.vector_store %arg7[%swap3A_49, %swap3A_50], %broadcast_in_dim3A_48 {strides = array<i32>} : memref<128x128xf32, #tpu.memory_space<vmem>>, vector<16xf32>,
      %broadcast_in_dim3A_52 = arith.constant 0.000000e+00 : f32
      %broadcast_in_dim3A_53 = vector.broadcast %broadcast_in_dim3A_52 : f32 to vector<16xf32>
      %swap3A_54 = arith.index_cast %add3A_28 : i32 to index
      %swap3A_55 = arith.constant 80 : index
      %swap3A_56 = tpu.vector_load %arg7[%swap3A_54, %swap3A_55] {strides = array<i32>} : memref<128x128xf32, #tpu.memory_space<vmem>>, vector<16xf32>,
      tpu.vector_store %arg7[%swap3A_54, %swap3A_55], %broadcast_in_dim3A_53 {strides = array<i32>} : memref<128x128xf32, #tpu.memory_space<vmem>>, vector<16xf32>,
      %broadcast_in_dim3A_57 = arith.constant 0.000000e+00 : f32
      %broadcast_in_dim3A_58 = vector.broadcast %broadcast_in_dim3A_57 : f32 to vector<16xf32>
      %swap3A_59 = arith.index_cast %add3A_28 : i32 to index
      %swap3A_60 = arith.constant 96 : index
      %swap3A_61 = tpu.vector_load %arg7[%swap3A_59, %swap3A_60] {strides = array<i32>} : memref<128x128xf32, #tpu.memory_space<vmem>>, vector<16xf32>,
      tpu.vector_store %arg7[%swap3A_59, %swap3A_60], %broadcast_in_dim3A_58 {strides = array<i32>} : memref<128x128xf32, #tpu.memory_space<vmem>>, vector<16xf32>,
      %broadcast_in_dim3A_62 = arith.constant 0.000000e+00 : f32
      %broadcast_in_dim3A_63 = vector.broadcast %broadcast_in_dim3A_62 : f32 to vector<16xf32>
      %swap3A_64 = arith.index_cast %add3A_28 : i32 to index
      %swap3A_65 = arith.constant 112 : index
      %swap3A_66 = tpu.vector_load %arg7[%swap3A_64, %swap3A_65] {strides = array<i32>} : memref<128x128xf32, #tpu.memory_space<vmem>>, vector<16xf32>,
      tpu.vector_store %arg7[%swap3A_64, %swap3A_65], %broadcast_in_dim3A_63 {strides = array<i32>} : memref<128x128xf32, #tpu.memory_space<vmem>>, vector<16xf32>,
    }
    %scan3A_8 = arith.constant 128 : i32
    %scan3A_9 = arith.constant 0 : i32
    %scan3A_10 = arith.constant 5 : i32
    %scan3A_11 = arith.addi %scan3A_9, %scan3A_10 : i32
    %scan3A_12 = arith.constant 1 : i32
    scf.for %scan3A_24 = %scan3A_9 to %scan3A_11 step %scan3A_12  : i32 {
      %mul3A_25 = arith.constant 1 : i32
      %mul3A_26 = arith.muli %scan3A_24, %mul3A_25 : i32
      %add3A_27 = arith.constant 0 : i32
      %add3A_28 = arith.addi %add3A_27, %mul3A_26 : i32
      %mul3A_29 = arith.constant 640 : i32
      %mul3A_30 = arith.muli %arg1, %mul3A_29 : i32
      %mul3A_31 = arith.constant 128 : i32
      %mul3A_32 = arith.muli %add3A_28, %mul3A_31 : i32
      %add3A_33 = arith.addi %mul3A_30, %mul3A_32 : i32
      "tpu.region"() ({
        %run_scoped3A = tpu.sem_alloc : memref<!tpu.dma_semaphore, #tpu.memory_space<semaphore_mem>>
        %dma_start3A = arith.constant 0 : i32
        %dma_start3A_34 = tpu.memref_slice %arg8[%add3A_33, %dma_start3A] : memref<10240x128xf32, #tpu.memory_space<vmem_shared>> -> memref<128x128xf32, #tpu.memory_space<vmem_shared>>
        %dma_start3A_35 = arith.constant 0 : i32
        %dma_start3A_36 = tpu.memref_slice %arg8[%add3A_33, %dma_start3A_35] : memref<10240x128xf32, #tpu.memory_space<vmem_shared>> -> memref<128x128xf32, #tpu.memory_space<vmem_shared>>
        tpu.enqueue_dma source(%arg7 : memref<128x128xf32, #tpu.memory_space<vmem>>) target(%dma_start3A_36 : memref<128x128xf32, #tpu.memory_space<vmem_shared>>) target_semaphore(%run_scoped3A : memref<!tpu.dma_semaphore, #tpu.memory_space<semaphore_mem>>)
        %dma_wait3A = arith.constant 0 : i32
        %dma_wait3A_37 = tpu.memref_slice %arg8[%add3A_33, %dma_wait3A] : memref<10240x128xf32, #tpu.memory_space<vmem_shared>> -> memref<128x128xf32, #tpu.memory_space<vmem_shared>>
        %dma_wait3A_38 = arith.constant 0 : i32
        %dma_wait3A_39 = tpu.memref_slice %arg8[%add3A_33, %dma_wait3A_38] : memref<10240x128xf32, #tpu.memory_space<vmem_shared>> -> memref<128x128xf32, #tpu.memory_space<vmem_shared>>
        tpu.wait_dma2 semaphore(%run_scoped3A : memref<!tpu.dma_semaphore, #tpu.memory_space<semaphore_mem>>) src(%arg7 : memref<128x128xf32, #tpu.memory_space<vmem>>) dst(%dma_wait3A_39 : memref<128x128xf32, #tpu.memory_space<vmem_shared>>)
        tpu.yield
      }) : () -> ()
    }
    %scan3A_13 = arith.constant 5 : i32
    %barrier3A = arith.constant 0 : index
    tpu.barrier barrier_id(%barrier3A)
    %scan3A_14 = arith.constant 0 : i32
    %scan3A_15 = arith.constant 80 : i32
    %scan3A_16 = arith.addi %scan3A_14, %scan3A_15 : i32
    %scan3A_17 = arith.constant 1 : i32
    scf.for %scan3A_24 = %scan3A_14 to %scan3A_16 step %scan3A_17  : i32 {
      %mul3A_25 = arith.constant 1 : i32
      %mul3A_26 = arith.muli %scan3A_24, %mul3A_25 : i32
      %add3A_27 = arith.constant 0 : i32
      %add3A_28 = arith.addi %add3A_27, %mul3A_26 : i32
      %scan3A_29 = arith.constant 0 : i32
      %scan3A_30 = arith.constant 128 : i32
      %scan3A_31 = arith.addi %scan3A_29, %scan3A_30 : i32
      %scan3A_32 = arith.constant 1 : i32
      scf.for %scan3A_34 = %scan3A_29 to %scan3A_31 step %scan3A_32  : i32 {
        %mul3A_35 = arith.constant 1 : i32
        %mul3A_36 = arith.muli %scan3A_34, %mul3A_35 : i32
        %add3A_37 = arith.constant 0 : i32
        %add3A_38 = arith.addi %add3A_37, %mul3A_36 : i32
        %mul3A_39 = arith.constant 128 : i32
        %mul3A_40 = arith.muli %add3A_28, %mul3A_39 : i32
        %add3A_41 = arith.addi %mul3A_40, %add3A_38 : i32
        %broadcast_in_dim3A = vector.broadcast %add3A_41 : i32 to vector<16xi32>
        %gather3A = tpu.vector_load_idx %arg6[%broadcast_in_dim3A] : memref<10240xf32, #tpu.memory_space<vmem>>[vector<16xi32>], vector<16xf32>,
        %swap3A = arith.index_cast %add3A_38 : i32 to index
        %swap3A_42 = arith.constant 0 : index
        %swap3A_43 = tpu.vector_load %arg7[%swap3A, %swap3A_42] {strides = array<i32>} : memref<128x128xf32, #tpu.memory_space<vmem>>, vector<16xf32>,
        tpu.vector_store %arg7[%swap3A, %swap3A_42], %gather3A {strides = array<i32>} : memref<128x128xf32, #tpu.memory_space<vmem>>, vector<16xf32>,
        %swap3A_44 = arith.index_cast %add3A_38 : i32 to index
        %swap3A_45 = arith.constant 16 : index
        %swap3A_46 = tpu.vector_load %arg7[%swap3A_44, %swap3A_45] {strides = array<i32>} : memref<128x128xf32, #tpu.memory_space<vmem>>, vector<16xf32>,
        tpu.vector_store %arg7[%swap3A_44, %swap3A_45], %gather3A {strides = array<i32>} : memref<128x128xf32, #tpu.memory_space<vmem>>, vector<16xf32>,
        %swap3A_47 = arith.index_cast %add3A_38 : i32 to index
        %swap3A_48 = arith.constant 32 : index
        %swap3A_49 = tpu.vector_load %arg7[%swap3A_47, %swap3A_48] {strides = array<i32>} : memref<128x128xf32, #tpu.memory_space<vmem>>, vector<16xf32>,
        tpu.vector_store %arg7[%swap3A_47, %swap3A_48], %gather3A {strides = array<i32>} : memref<128x128xf32, #tpu.memory_space<vmem>>, vector<16xf32>,
        %swap3A_50 = arith.index_cast %add3A_38 : i32 to index
        %swap3A_51 = arith.constant 48 : index
        %swap3A_52 = tpu.vector_load %arg7[%swap3A_50, %swap3A_51] {strides = array<i32>} : memref<128x128xf32, #tpu.memory_space<vmem>>, vector<16xf32>,
        tpu.vector_store %arg7[%swap3A_50, %swap3A_51], %gather3A {strides = array<i32>} : memref<128x128xf32, #tpu.memory_space<vmem>>, vector<16xf32>,
        %swap3A_53 = arith.index_cast %add3A_38 : i32 to index
        %swap3A_54 = arith.constant 64 : index
        %swap3A_55 = tpu.vector_load %arg7[%swap3A_53, %swap3A_54] {strides = array<i32>} : memref<128x128xf32, #tpu.memory_space<vmem>>, vector<16xf32>,
        tpu.vector_store %arg7[%swap3A_53, %swap3A_54], %gather3A {strides = array<i32>} : memref<128x128xf32, #tpu.memory_space<vmem>>, vector<16xf32>,
        %swap3A_56 = arith.index_cast %add3A_38 : i32 to index
        %swap3A_57 = arith.constant 80 : index
        %swap3A_58 = tpu.vector_load %arg7[%swap3A_56, %swap3A_57] {strides = array<i32>} : memref<128x128xf32, #tpu.memory_space<vmem>>, vector<16xf32>,
        tpu.vector_store %arg7[%swap3A_56, %swap3A_57], %gather3A {strides = array<i32>} : memref<128x128xf32, #tpu.memory_space<vmem>>, vector<16xf32>,
        %swap3A_59 = arith.index_cast %add3A_38 : i32 to index
        %swap3A_60 = arith.constant 96 : index
        %swap3A_61 = tpu.vector_load %arg7[%swap3A_59, %swap3A_60] {strides = array<i32>} : memref<128x128xf32, #tpu.memory_space<vmem>>, vector<16xf32>,
        tpu.vector_store %arg7[%swap3A_59, %swap3A_60], %gather3A {strides = array<i32>} : memref<128x128xf32, #tpu.memory_space<vmem>>, vector<16xf32>,
        %swap3A_62 = arith.index_cast %add3A_38 : i32 to index
        %swap3A_63 = arith.constant 112 : index
        %swap3A_64 = tpu.vector_load %arg7[%swap3A_62, %swap3A_63] {strides = array<i32>} : memref<128x128xf32, #tpu.memory_space<vmem>>, vector<16xf32>,
        tpu.vector_store %arg7[%swap3A_62, %swap3A_63], %gather3A {strides = array<i32>} : memref<128x128xf32, #tpu.memory_space<vmem>>, vector<16xf32>,
      }
      %scan3A_33 = arith.constant 128 : i32
      "tpu.region"() ({
        %run_scoped3A = tpu.sem_alloc : memref<!tpu.dma_semaphore, #tpu.memory_space<semaphore_mem>>
        %dma_start3A = arith.constant 0 : i32
        %dma_start3A_34 = tpu.memref_slice %arg5[%add3A_28, %dma_start3A] : memref<80x128xi32, #tpu.memory_space<vmem>> -> memref<1x128xi32, #tpu.memory_space<vmem>>
        %dma_start3A_35 = tpu.memref_squeeze %dma_start3A_34 : memref<1x128xi32, #tpu.memory_space<vmem>> -> memref<128xi32, #tpu.memory_space<vmem>>
        %dma_start3A_36 = arith.constant 0 : i32
        %dma_start3A_37 = arith.constant 0 : i32
        %dma_start3A_38 = tpu.memref_slice %arg8[%dma_start3A_36, %dma_start3A_37] : memref<10240x128xf32, #tpu.memory_space<vmem_shared>> -> memref<10240x128xf32, #tpu.memory_space<vmem_shared>>
        tpu.enqueue_indirect_dma source(%arg7 : memref<128x128xf32, #tpu.memory_space<vmem>>) target(%dma_start3A_38 : memref<10240x128xf32, #tpu.memory_space<vmem_shared>>) offsets(%dma_start3A_35 : memref<128xi32, #tpu.memory_space<vmem>>) semaphore(%run_scoped3A : memref<!tpu.dma_semaphore, #tpu.memory_space<semaphore_mem>>) {add = true}
        %dma_wait3A = arith.constant 0 : i32
        %dma_wait3A_39 = tpu.memref_slice %arg5[%add3A_28, %dma_wait3A] : memref<80x128xi32, #tpu.memory_space<vmem>> -> memref<1x128xi32, #tpu.memory_space<vmem>>
        %dma_wait3A_40 = tpu.memref_squeeze %dma_wait3A_39 : memref<1x128xi32, #tpu.memory_space<vmem>> -> memref<128xi32, #tpu.memory_space<vmem>>
        %dma_wait3A_41 = arith.constant 0 : i32
        %dma_wait3A_42 = arith.constant 0 : i32
        %dma_wait3A_43 = tpu.memref_slice %arg8[%dma_wait3A_41, %dma_wait3A_42] : memref<10240x128xf32, #tpu.memory_space<vmem_shared>> -> memref<10240x128xf32, #tpu.memory_space<vmem_shared>>
        tpu.wait_indirect_dma semaphore(%run_scoped3A : memref<!tpu.dma_semaphore, #tpu.memory_space<semaphore_mem>>) src(%arg7 : memref<128x128xf32, #tpu.memory_space<vmem>>) dst(%dma_wait3A_43 : memref<10240x128xf32, #tpu.memory_space<vmem_shared>>)
        tpu.yield
      }) : () -> ()
    }
    %scan3A_18 = arith.constant 80 : i32
    %barrier3A_19 = arith.constant 0 : index
    tpu.barrier barrier_id(%barrier3A_19)
    %mul3A_20 = arith.constant 640 : i32
    %mul3A_21 = arith.muli %arg1, %mul3A_20 : i32
    %mul3A_22 = arith.constant 640 : i32
    %mul3A_23 = arith.muli %arg1, %mul3A_22 : i32
    "tpu.region"() ({
      %run_scoped3A = tpu.sem_alloc : memref<!tpu.dma_semaphore, #tpu.memory_space<semaphore_mem>>
      %dma_start3A = arith.constant 0 : i32
      %dma_start3A_24 = tpu.memref_slice %arg4[%arg0, %mul3A_23, %dma_start3A] : memref<2x10240x128xf32, #tpu.memory_space<hbm>> -> memref<1x640x128xf32, #tpu.memory_space<hbm>>
      %dma_start3A_25 = tpu.memref_squeeze %dma_start3A_24 : memref<1x640x128xf32, #tpu.memory_space<hbm>> -> memref<640x128xf32, #tpu.memory_space<hbm>>
      %dma_start3A_26 = arith.constant 0 : i32
      %dma_start3A_27 = tpu.memref_slice %arg8[%mul3A_21, %dma_start3A_26] : memref<10240x128xf32, #tpu.memory_space<vmem_shared>> -> memref<640x128xf32, #tpu.memory_space<vmem_shared>>
      tpu.enqueue_dma source(%dma_start3A_27 : memref<640x128xf32, #tpu.memory_space<vmem_shared>>) target(%dma_start3A_25 : memref<640x128xf32, #tpu.memory_space<hbm>>) target_semaphore(%run_scoped3A : memref<!tpu.dma_semaphore, #tpu.memory_space<semaphore_mem>>)
      %dma_wait3A = arith.constant 0 : i32
      %dma_wait3A_28 = tpu.memref_slice %arg4[%arg0, %mul3A_23, %dma_wait3A] : memref<2x10240x128xf32, #tpu.memory_space<hbm>> -> memref<1x640x128xf32, #tpu.memory_space<hbm>>
      %dma_wait3A_29 = tpu.memref_squeeze %dma_wait3A_28 : memref<1x640x128xf32, #tpu.memory_space<hbm>> -> memref<640x128xf32, #tpu.memory_space<hbm>>
      %dma_wait3A_30 = arith.constant 0 : i32
      %dma_wait3A_31 = tpu.memref_slice %arg8[%mul3A_21, %dma_wait3A_30] : memref<10240x128xf32, #tpu.memory_space<vmem_shared>> -> memref<640x128xf32, #tpu.memory_space<vmem_shared>>
      tpu.wait_dma2 semaphore(%run_scoped3A : memref<!tpu.dma_semaphore, #tpu.memory_space<semaphore_mem>>) src(%dma_wait3A_31 : memref<640x128xf32, #tpu.memory_space<vmem_shared>>) dst(%dma_wait3A_29 : memref<640x128xf32, #tpu.memory_space<hbm>>)
      tpu.yield
    }) : () -> ()
    return
  }
}

</mosaic_0001>

<sc_bundles>
// kernel: _sc_deg.3.cloned.1.call-start
scs
__scs_entry_jumppad:
0x0: {  	(pc) =	sbr.rel $0x88, $3  }
0x1: {  	(tag) =	ssettag $0x0;
	lr =	simm.s32 $0x1  }
0x2: {  	[smem:$0x3F9F] =	sst lr;
	_ =	strace $0xD0000000  }
0x3: {  	_ = 	snop  }
0x4: {  	_ = 	snop  }
0x5: {  	_ = 	snop  }
0x6: {  	_ = 	snop  }
0x7: {  	_ = 	snop  }
__scs_overlays_trampoline_lowered:
0x8: {  	[smem:$0x3FAE] =	sst s0  }
0x9: {  	[smem:$0x3FAF] =	sst s1  }
0xa: {  	[smem:$0x3FB0] =	sst s2  }
0xb: {  	[smem:$0x3FB1] =	sst s3  }
0xc: {  	[smem:$0x3FB2] =	sst s4  }
0xd: {  	[smem:$0x3FB3] =	sst s5  }
0xe: {  	[smem:$0x3FB4] =	sst s6  }
0xf: {  	[smem:$0x3FB5] =	sst s7  }
0x10: {  	[smem:$0x3FB6] =	sst s8  }
0x11: {  	[smem:$0x3FB7] =	sst s9;
	s0 =	simm.s32 @!p0 $0x0  }
0x12: {  	s1 =	sld [smem:$0x3F9D];
	s0 =	simm.s32 @p0 $0x1  }
0x13: {  	[smem:$0x3FB8] =	sst s0;
	s0 =	simm.s32 @!p1 $0x0  }
0x14: {  	s2 =	sld [smem:$0x3F9C];
	s0 =	simm.s32 @p1 $0x1  }
0x15: {  	[smem:$0x3FB9] =	sst s0;
	s0 =	simm.s32 @!p2 $0x0  }
0x16: {  	s3 =	sld [smem:$0x3FDB];
	s0 =	simm.s32 @p2 $0x1  }
0x17: {  	s4 =	simm.s32 $0x1BF5;
	[smem:$0x3FBB] =	sst s0  }
0x18: {  	s0 =	sld [smem:$0x3F9E];
	_ =	swait.ge [sflag:s4], $0x0  }
0x19: {  	s7 =	sld [smem:$0x3F9F]  }
0x1a: {  	s8 =	sadd.s32 $0xFFFFE003, lr  }
0x1b: {  	s9 =	sadd.s32 $0xFFFFFEF7, lr;
	s5 =	simm.s32 $0xFFFFFFFF;
	p2 =	slt.u32 s8, $0xFFFFF086  }
0x1c: {  	p1 =	slt.u32 s9, $0xF7A;
	s5 =	simm.s32 @!p2 $0x0  }
0x1d: {  	s5 =	simm.s32 @p1 $0x1;
	p0 =	seq.s32 s7, s2  }
0x1e: {  	s7 =	smul.u32 @!p0 $0xF7A, s2;
	p2 =	seq.s32 @!p0 s5, $0x0  }
0x1f: {  	s9 =	smul.u32 $0xF7A, s1;
	s8 =	simm.s32 @!p0 $0x1BF5;
	p2 =	por !p2, p0  }
0x20: {  	[sflag:s8] =	ssyncset.s32 @!p0 $0xFFFFF086;
	s6 =	sadd.s32 @!p0 s3, s7;
	s7 =	simm.s32 @!p0 $0x108  }
0x21: {  	s3 =	sadd.s32 s3, s9;
	s6 =	sadd.s32 @!p0 $0x88, s6;
	s7 =	simm.s32 @p2 $0x1082  }
0x22: {  	[simem:s7], [sflag:s8] =	dma.local @!p0 [hbm:s6], $0xF7A  }
0x23: {  	s9 =	sor.u32 $0xD0000000, s2;
	s6 =	simm.s32 $0x108;
	_ =	swait.ge @!p0 [sflag:s8], $0x0  }
0x24: {  	s3 =	sadd.s32 $0x88, s3;
	s6 =	simm.s32 @!p1 $0x1082;
	[sflag:s4] =	ssyncset.s32 $0xFFFFF086  }
0x25: {  	[simem:s6], [sflag:s4] =	dma.local [hbm:s3], $0xF7A  }
0x26: {  	[smem:$0x3F9F] =	sst s1;
	(tag) =	ssettag s2;
	_ =	strace s9  }
0x27: {  	s1 =	sld [smem:$0x3FAF]  }
0x28: {  	s2 =	sld [smem:$0x3FB0]  }
0x29: {  	s4 =	sld [smem:$0x3FB2]  }
0x2a: {  	p0 =	seq.s32 s5, $0x0;
	s5 =	sld [smem:$0x3FB3]  }
0x2b: {  	s6 =	sld [smem:$0x3FB4]  }
0x2c: {  	s7 =	sld [smem:$0x3FB5]  }
0x2d: {  	s3 =	simm.s32 $0x108;
	s8 =	sld [smem:$0x3FB6]  }
0x2e: {  	s3 =	simm.s32 @!p0 $0x1082;
	s9 =	sld [smem:$0x3FB7]  }
0x2f: {  	lr =	sadd.s32 s0, s3;
	s0 =	sld [smem:$0x3FAE]  }
0x30: {  	s3 =	sld [smem:$0x3FB1]  }
0x31: {  	[smem:$0x3FBA] =	sst s10  }
0x32: {  	s10 =	sld [smem:$0x3FB8];
	_ =	sdelay $0x3  }
0x33: {  	p0 =	seq.s32 s10, $0x1;
	s10 =	sld [smem:$0x3FBA];
	_ =	sdelay $0x3  }
0x34: {  	[smem:$0x3FBA] =	sst s10  }
0x35: {  	s10 =	sld [smem:$0x3FB9];
	_ =	sdelay $0x3  }
0x36: {  	p1 =	seq.s32 s10, $0x1;
	s10 =	sld [smem:$0x3FBA];
	_ =	sdelay $0x3  }
0x37: {  	[smem:$0x3FBA] =	sst s10  }
0x38: {  	s10 =	sld [smem:$0x3FBB]  }
0x39: {  	_ = 	snop;
	(pc) =	sbr.ind lr, $3  }
0x3a: {  	_ = 	snop  }
0x3b: {  	_ = 	snop  }
0x3c: {  	p2 =	seq.s32 s10, $0x1;
	s10 =	sld [smem:$0x3FBA]  }
0x3d: {  	_ =	shalt  }
0x3e: {  	_ =	shalt  }
0x3f: {  	_ =	shalt  }
0x40: {  	_ =	shalt  }
0x41: {  	_ =	shalt  }
0x42: {  	_ =	shalt  }
0x43: {  	_ =	shalt  }
0x44: {  	_ =	shalt  }
0x45: {  	_ =	shalt  }
0x46: {  	_ =	shalt  }
0x47: {  	_ =	shalt  }
0x48: {  	_ =	shalt  }
0x49: {  	_ =	shalt  }
0x4a: {  	_ =	shalt  }
0x4b: {  	_ =	shalt  }
0x4c: {  	_ =	shalt  }
0x4d: {  	_ =	shalt  }
0x4e: {  	_ =	shalt  }
0x4f: {  	_ =	shalt  }
0x50: {  	_ =	shalt  }
0x51: {  	_ =	shalt  }
0x52: {  	_ =	shalt  }
0x53: {  	_ =	shalt  }
0x54: {  	_ =	shalt  }
0x55: {  	_ =	shalt  }
0x56: {  	_ =	shalt  }
0x57: {  	_ =	shalt  }
0x58: {  	_ =	shalt  }
0x59: {  	_ =	shalt  }
0x5a: {  	_ =	shalt  }
0x5b: {  	_ =	shalt  }
0x5c: {  	_ =	shalt  }
0x5d: {  	_ =	shalt  }
0x5e: {  	_ =	shalt  }
0x5f: {  	_ =	shalt  }
0x60: {  	_ =	shalt  }
0x61: {  	_ =	shalt  }
0x62: {  	_ =	shalt  }
0x63: {  	_ =	shalt  }
0x64: {  	_ =	shalt  }
0x65: {  	_ =	shalt  }
0x66: {  	_ =	shalt  }
0x67: {  	_ =	shalt  }
0x68: {  	_ =	shalt  }
0x69: {  	_ =	shalt  }
0x6a: {  	_ =	shalt  }
0x6b: {  	_ =	shalt  }
0x6c: {  	_ =	shalt  }
0x6d: {  	_ =	shalt  }
0x6e: {  	_ =	shalt  }
0x6f: {  	_ =	shalt  }
0x70: {  	_ =	shalt  }
0x71: {  	_ =	shalt  }
0x72: {  	_ =	shalt  }
0x73: {  	_ =	shalt  }
0x74: {  	_ =	shalt  }
0x75: {  	_ =	shalt  }
0x76: {  	_ =	shalt  }
0x77: {  	_ =	shalt  }
0x78: {  	_ =	shalt  }
0x79: {  	_ =	shalt  }
0x7a: {  	_ =	shalt  }
0x7b: {  	_ =	shalt  }
0x7c: {  	_ =	shalt  }
0x7d: {  	_ =	shalt  }
0x7e: {  	_ =	shalt  }
0x7f: {  	_ =	shalt  }
0x80: {  	_ =	shalt  }
0x81: {  	_ =	shalt  }
0x82: {  	_ =	shalt  }
0x83: {  	_ =	shalt  }
0x84: {  	_ =	shalt  }
0x85: {  	_ =	shalt  }
0x86: {  	_ =	shalt  }
0x87: {  	_ =	shalt  }
.Lfunc_end0:
.L_simem_size_0:
called_computation_lowered:
.L_overlay_start_0:
0x88: {  	s2 =	sld [smem:$0x3FD9]  }
0x89: {  	s3 =	sld [smem:$0x3FFE];
	_ =	sdelay $0x1  }
0x8a: {  	s1 =	srdreg.scid  }
0x8b: {  	s0 =	sand.u32 $0x1, s1  }
0x8c: {  	s18 =	sshll.u32 s0, $0xA;
	s2 =	sadd.s32 s3, s2  }
0x8d: {  	s2 =	sadd.s32 s2, s18  }
0x8e: {  	[smem:$0x3FC6] =	sst s2  }
0x8f: {  	_ = 	snop  }
0x90: {  	s2 =	sld [smem:$0x3FC9]  }
0x91: {  	s19 =	sld [smem:$0x3FC8]  }
0x92: {  	s4 =	sld [smem:$0x3FD0];
	(tm) =	ssettm $0x1  }
0x93: {  	s5 =	sld [smem:$0x3FFB];
	_ =	sdelay $0x3  }
0x94: {  	_ =	strace s5  }
0x95: {  	s5 =	sld [smem:$0x3FFC];
	_ =	sdelay $0x3  }
0x96: {  	_ =	strace s5  }
0x97: {  	s5 =	sld [smem:$0x3FFD];
	_ =	sdelay $0x3  }
0x98: {  	_ =	strace s5  }
0x99: {  	_ =	strace $0x8FFFFFFF  }
0x9a: {  	s20 =	sld [smem:$0x3FDB];
	_ =	sdelay $0x1  }
0x9b: {  	s6 =	simm.s32 $_scs_section_size  }
0x9c: {  	s7 =	simm.s32 $_size__tile_overlayer_lowered;
	s8 =	simm.s32 $_tile_overlayer_lowered  }
0x9d: {  	s23 =	simm.s32 $0x1BFF;
	s22 =	sshll.u32 s8, $0x1;
	s5 =	sadd.s32 s6, s20  }
0x9e: {  	s9 =	simm.s32 $0x0;
	s21 =	sshll.u32 s7, $0x1;
	s7 =	sadd.s32 s22, s5  }
0x9f: {  	[timem:s9], [sflag:s23] =	dma.local [hbm:s7], s21  }
0xa0: {  	_ =	swait.ge [sflag:s23], s21  }
0xa1: {  	s6 =	ssub.s32 $0x0, s21;
	[sflag:s23] =	ssyncset.done $0x0  }
0xa2: {  	[sflag:s23] =	ssyncadd.s32 s6;
	_ =	sdelay $0x1  }
0xa3: {  	s24 =	simm.s32 $0x1B8B  }
0xa4: {  	_ =	swait.ge [sflag:s24], $0x1  }
0xa5: {  	[sflag:s24] =	ssyncset.done $0x0  }
0xa6: {  	s25 =	simm.s32 $0x1B8E;
	[sflag:s24] =	ssyncadd.s32 $0xFFFFFFFF  }
0xa7: {  	s26 =	simm.s32 $execute0_lowered;
	[smem:$0x3FD2] =	sst s25  }
0xa8: {  	s6 =	sshll.u32 s26, $0x1;
	_ =	strace $0x80000046;
	[dreg:$0x1] =	wrdreg $0xFFFFFFFF  }
0xa9: {  	s28 =	simm.s32 $_size_execute0_lowered;
	s5 =	sadd.s32 s5, s6;
	[dreg:$0x0] =	wrdreg $0x0  }
0xaa: {  	s6 =	sshll.u32 s28, $0x1;
	[dreg:$0x2] =	wrdreg s5  }
0xab: {  	[dreg:$0x3] =	wrdreg s6  }
0xac: {  	[dreg:$0x4] =	wrdreg $0xC0  }
0xad: {  	_ =	task [dreg:s9], $0x5FFFF  }
0xae: {  	[dreg:$0x1] =	wrdreg $0xFFFFFFFF  }
0xaf: {  	[dreg:$0x0] =	wrdreg $0x60  }
0xb0: {  	[dreg:$0x2] =	wrdreg s2  }
0xb1: {  	[dreg:$0x3] =	wrdreg s19  }
0xb2: {  	[dreg:$0x4] =	wrdreg s4  }
0xb3: {  	[dreg:$0x5] =	wrdreg $0x90000  }
0xb4: {  	[dreg:$0x6] =	wrdreg $0x9  }
0xb5: {  	_ =	task.clear_ibuf [dreg:s9], $0x7FFFF;
	_ =	strace $0x90000046  }
0xb6: {  	s29 =	simm.s32 $0x9;
	_ =	strace $0x80000048  }
0xb7: {  	_ =	swait.ge [sflag:s29], $0x1  }
0xb8: {  	[sflag:s29] =	ssyncadd.s32 $0xFFFFFFFF  }
0xb9: {  	_ =	strace $0x90000048  }
0xba: {  	_ =	sfence  }
0xbb: {  	s30 =	sld [smem:$0x0];
	_ =	sdelay $0x2  }
0xbc: {  	s31 =	sshll.u32 s1, $0xD;
	s1 =	sshrl.u32 s1, $0x2  }
0xbd: {  	s3 =	sand.u32 $0x4000, s31;
	s1 =	sadd.s32 s1, s30  }
0xbe: {  	s0 =	sor.u32 s3, s0;
	s1 =	sshll.u32 s1, $0x11  }
0xbf: {  	s0 =	sor.u32 s1, s0  }
0xc0: {  	s0 =	sadd.s32 $0x8F2B, s0  }
0xc1: {  	[sflag:s0] =	ssyncadd.remote.s32 $0x1  }
0xc2: {  	_ =	sfence.sel $0xFFFF  }
0xc3: {  	[dreg:$0x0] =	wrdreg $0xFFFFFFFF;
	(pc) =	sbr.abs _section_cstart, $3  }
0xc4: {  	[dreg:$0x1] =	wrdreg $0xFFFFFFFF  }
0xc5: {  	_ =	task.clear_ibuf [dreg:s9], $0x2FFFF;
	_ =	strace $0x9FFFFFFF  }
0xc6: {  	(tm) =	ssettm $0x7FFFFFFF  }
0xc7: {  	_ =	shalt  }
tec
execute0_lowered:
.L_overlay_start_1:
0x0: {  	(tag) =	ssettag $0x1  }
0x1: {  	s5 =	rddreg [dreg:$0x0]  }
0x2: {  	s4 =	rddreg [dreg:$0x1]  }
0x3: {  	s1 =	srdreg.scid;
	s7 =	rddreg [dreg:$0x2]  }
0x4: {  	s0 =	stileid.u32;
	s2 =	rddreg [dreg:$0x3];
	s3 =	simm.s32 $0x0  }
0x5: {  	s13 =	simm.s32 $0x1;
	s14 =	simm.s32 $0x2800;
	s15 =	simm.s32 $0x5000  }
0x6: {  	s16 =	simm.s32 $0x80;
	s19 =	simm.s32 $0x0;
	s6 =	sand.u32 $0x1, s1  }
0x7: {  	s29 =	sshll.u32 s0, $0x1;
	[smem:$0x7FF] =	sst s3;
	s10 =	smul.u32 $0x14000, s0  }
0x8: {  	s12 =	smul.u32 $0x50000, s0;
	s17 =	sshll.u32 s0, $0x6;
	s1 =	sor.u32 s6, s29  }
0x9: {  	s9 =	smul.u32 $0x140000, s6;
	s6 =	ssub.s32 $0x2, s6;
	s17 =	sor.u32 $0x1C01, s17  }
0xa: {  	s8 =	smul.u32 $0x500, s1;
	s1 =	rddreg [dreg:$0x4];
	s11 =	sshrl.u32 s6, $0x1  }
0xb: {  	_ =	strace $0x80000047;
	s31 =	sshrl.u32 s12, $0x2;
	s11 =	ssub.s32 s6, s11  }
0xc: {  	s30 =	sadd.s32 s10, s9;
	s6 =	sadd.s32 s31, s2;
	s4 =	sadd.s32 s4, s8  }
0xd: {  	s5 =	sadd.s32 s5, s8;
	s9 =	sshrl.u32 s30, $0x3;
	s8 =	smax.u32 s11, $0x1  }
0xe: {  	s10 =	sadd.s32 $0x8000, s6;
	s11 =	sadd.s32 $0xC000, s6;
	s12 =	sadd.s32 $0x10000, s6  }
0xf: {  	v0 =	vimm.f32 $0.0e+00;
	s18 =	sshrl.u32 s6, $0x3;
	s7 =	sadd.s32 s7, s9;
	s9 =	sadd.s32 $0x4000, s6  }
.LBB2_1:
0x10: {  	[tilespmem:s3], [sflag:$0x1] =	stream.linear.gather [hbm4b:s4+s3], $0x2800, $0x38;
	[tilespmem:$0x1D000] =	vst v63  }
0x11: {  	_ =	swait.ge [sflag:s13], $0x2800  }
0x12: {  	[sflag:s13] =	ssyncset.done $0x0  }
0x13: {  	[sflag:s13] =	ssyncadd.s32 $0xFFFFD800  }
0x14: {  	[tilespmem:s14], [sflag:$0x1] =	stream.linear.gather [hbm4b:s5+s3], $0x2800, $0x38;
	[tilespmem:$0x1D000] =	vst v63  }
0x15: {  	_ =	swait.ge [sflag:s13], $0x2800  }
0x16: {  	[sflag:s13] =	ssyncset.done $0x0  }
0x17: {  	s20 =	simm.s32 $0x0;
	s21 =	simm.s32 $0x200;
	[sflag:s13] =	ssyncadd.s32 $0xFFFFD800  }
.LBB2_2:
0x18: {  	p0 =	sne.s32 s21, $0xFE00;
	[tilespmem:s20+$0x5070] =	vst v0  }
0x19: {  	[tilespmem:s20+$0x5000] =	vst v0  }
0x1a: {  	[tilespmem:s20+$0x5010] =	vst v0  }
.Ltmp0:
0x1b: {  	[tilespmem:s20+$0x5020] =	vst v0;
	(pc) =	sbr.rel @p0 .LBB2_2-.Ltmp0, $4  }
0x1c: {  	[tilespmem:s20+$0x5030] =	vst v0  }
0x1d: {  	[tilespmem:s20+$0x5040] =	vst v0  }
0x1e: {  	[tilespmem:s20+$0x5050] =	vst v0  }
0x1f: {  	[tilespmem:s20+$0x5060] =	vst v0;
	s20 =	sshra.s32 s21, $0x2;
	s21 =	sadd.s32 $0x200, s21  }
0x20: {  	[tilespmem:s20+$0x5070] =	vst v0  }
0x21: {  	[tilespmem:s20+$0x5000] =	vst v0  }
0x22: {  	[tilespmem:s20+$0x5010] =	vst v0  }
0x23: {  	[tilespmem:s20+$0x5020] =	vst v0  }
0x24: {  	[tilespmem:s20+$0x5030] =	vst v0  }
0x25: {  	[tilespmem:s20+$0x5040] =	vst v0  }
0x26: {  	[tilespmem:s20+$0x5050] =	vst v0  }
0x27: {  	[tilespmem:s20+$0x5060] =	vst v0  }
0x28: {  	[spmem:s6] =	stream.linear.scatter [tilespmem:s15], [sflag:$0x1], $0x4000, $0x38;
	[tilespmem:$0x1D000] =	vst v63  }
0x29: {  	_ =	swait.ge [sflag:s13], $0x4000  }
0x2a: {  	[sflag:s13] =	ssyncset.done $0x0  }
0x2b: {  	[sflag:s13] =	ssyncadd.s32 $0xFFFFC000  }
0x2c: {  	[spmem:s9] =	stream.linear.scatter [tilespmem:s15], [sflag:$0x1], $0x4000, $0x38;
	[tilespmem:$0x1D000] =	vst v63  }
0x2d: {  	_ =	swait.ge [sflag:s13], $0x4000  }
0x2e: {  	[sflag:s13] =	ssyncset.done $0x0  }
0x2f: {  	[sflag:s13] =	ssyncadd.s32 $0xFFFFC000  }
0x30: {  	[spmem:s10] =	stream.linear.scatter [tilespmem:s15], [sflag:$0x1], $0x4000, $0x38;
	[tilespmem:$0x1D000] =	vst v63  }
0x31: {  	_ =	swait.ge [sflag:s13], $0x4000  }
0x32: {  	[sflag:s13] =	ssyncset.done $0x0  }
0x33: {  	[sflag:s13] =	ssyncadd.s32 $0xFFFFC000  }
0x34: {  	[spmem:s11] =	stream.linear.scatter [tilespmem:s15], [sflag:$0x1], $0x4000, $0x38;
	[tilespmem:$0x1D000] =	vst v63  }
0x35: {  	_ =	swait.ge [sflag:s13], $0x4000  }
0x36: {  	[sflag:s13] =	ssyncset.done $0x0  }
0x37: {  	[sflag:s13] =	ssyncadd.s32 $0xFFFFC000  }
0x38: {  	[spmem:s12] =	stream.linear.scatter [tilespmem:s15], [sflag:$0x1], $0x4000, $0x38;
	[tilespmem:$0x1D000] =	vst v63  }
0x39: {  	_ =	swait.ge [sflag:s13], $0x4000  }
0x3a: {  	[sflag:s13] =	ssyncset.done $0x0  }
0x3b: {  	[sflag:s13] =	ssyncadd.s32 $0xFFFFC000  }
0x3c: {  	s20 =	simm.s32 $0x0;
	s21 =	simm.s32 $0x0;
	[bflag:$0x0] =	sbarrier.arrive $0xFFFF  }
.LBB2_4:
0x3d: {  	s22 =	sadd.s32 $0x0, s20  }
0x3e: {  	v1 =	vmov s22;
	_ =	sdelay $0x4  }
0x3f: {  	v1 =	vld.idx.msk [tilespmem:v1+s14+$0x0], $0xffff;
	_ =	sdelay $0x3  }
0x40: {  	s22 =	simm.s32 $0x5040  }
0x41: {  	[tilespmem:s22+$0xFFFFFFC0] =	vst v1  }
0x42: {  	[tilespmem:s22+$0xFFFFFFD0] =	vst v1  }
0x43: {  	s24 =	sadd.s32 $0x1, s20;
	s23 =	simm.s32 $0x2;
	[tilespmem:s22+$0xFFFFFFE0] =	vst v1  }
.LBB2_5:
0x44: {  	p0 =	sne.s32 s23, $0x7F;
	v2 =	vmov s24;
	[tilespmem:s22+$0xFFFFFFF0] =	vst v1  }
0x45: {  	[tilespmem:s22+$0x0] =	vst v1  }
0x46: {  	[tilespmem:s22+$0x10] =	vst v1  }
0x47: {  	[tilespmem:s22+$0x20] =	vst v1  }
0x48: {  	[tilespmem:s22+$0x30] =	vst v1  }
0x49: {  	v1 =	vld.idx.msk [tilespmem:v2+s14+$0x0], $0xffff;
	_ =	sdelay $0x3  }
.Ltmp1:
0x4a: {  	(pc) =	sbr.rel @p0 .LBB2_5-.Ltmp1, $4  }
0x4b: {  	s22 =	sadd.s32 $0x80, s22  }
0x4c: {  	[tilespmem:s22+$0xFFFFFFC0] =	vst v1  }
0x4d: {  	[tilespmem:s22+$0xFFFFFFD0] =	vst v1  }
0x4e: {  	s24 =	sadd.s32 s23, s20;
	s23 =	sadd.s32 $0x1, s23;
	[tilespmem:s22+$0xFFFFFFE0] =	vst v1  }
0x4f: {  	v2 =	vmov s24;
	[tilespmem:s22+$0xFFFFFFF0] =	vst v1  }
0x50: {  	[tilespmem:s22+$0x0] =	vst v1  }
0x51: {  	[tilespmem:s22+$0x10] =	vst v1  }
0x52: {  	[tilespmem:s22+$0x20] =	vst v1  }
0x53: {  	[tilespmem:s22+$0x30] =	vst v1  }
0x54: {  	v1 =	vld.idx.msk [tilespmem:v2+s14+$0x0], $0xffff;
	_ =	sdelay $0x3  }
0x55: {  	s30 =	sadd.s32 $0x80, s22  }
0x56: {  	[tilespmem:s30+$0xFFFFFFC0] =	vst v1  }
0x57: {  	[tilespmem:s30+$0xFFFFFFD0] =	vst v1  }
0x58: {  	[tilespmem:s30+$0xFFFFFFE0] =	vst v1  }
0x59: {  	[tilespmem:s30+$0xFFFFFFF0] =	vst v1  }
0x5a: {  	[tilespmem:s30+$0x0] =	vst v1  }
0x5b: {  	s23 =	sshll.u32 s21, $0x7;
	s21 =	sadd.s32 $0x1, s21;
	[tilespmem:s30+$0x10] =	vst v1  }
0x5c: {  	p0 =	sne.s32 s21, $0x50;
	[tilespmem:s30+$0x20] =	vst v1  }
.Ltmp2:
0x5d: {  	s31 =	sand.u32 $0x3FFFFF80, s23;
	[tilespmem:s30+$0x30] =	vst v1;
	(pc) =	sbr.rel @p0 .LBB2_4-.Ltmp2, $4  }
0x5e: {  	[spmem:s2] =	stream.indirect.scatter.add.f32 [tilespmem:s15], [sflag:$0x1], $0x80, s31, s16, $0xb8;
	[tilespmem:$0x1D000] =	vst v63  }
0x5f: {  	_ =	swait.ge [sflag:s13], $0x4000  }
0x60: {  	[sflag:s13] =	ssyncset.done $0x0  }
0x61: {  	s20 =	sadd.s32 $0x80, s20;
	[sflag:s13] =	ssyncadd.s32 $0xFFFFC000  }
0x62: {  	s19 =	sadd.s32 $0x1, s19  }
0x63: {  	p0 =	sne.s32 s19, s8  }
.Ltmp3:
0x64: {  	[bflag:$0x0] =	sbarrier.arrive $0xFFFF;
	(pc) =	sbr.rel @p0 .LBB2_1-.Ltmp3, $4  }
0x65: {  	[hbm:s7], [sflag:s17] =	dma.local [spmem:s18], $0x2800  }
0x66: {  	_ =	swait.ge [sflag:s13], $0x2800  }
0x67: {  	[sflag:s13] =	ssyncset.done $0x0  }
0x68: {  	[sflag:s13] =	ssyncadd.s32 $0xFFFFD800  }
0x69: {  	_ =	sfence.sel $0x180000  }
0x6a: {  	[bflag:$0x0] =	sbarrier.arrive $0xFFFF  }
0x6b: {  	p0 =	sne.s32 s0, $0x0;
	_ =	strace $0x90000047  }
0x6c: {  	s0 =	sadd.s32 @!p0 $0x100000, s1;
	[bflag:$0x2] =	sbarrier.arrive $0xFFFF  }
0x6d: {  	[sflag:s0] =	ssyncadd.tile.s32 @!p0 $0x1;
	_ =	shalt  }
.Lfunc_end2:
_tile_overlayer_lowered:
.L_overlay_start_2:
0x6e: {  	(tag) =	ssettag $0x2  }
0x6f: {  	s0 =	rddreg [dreg:$0x0];
	s2 =	stileid.u32  }
0x70: {  	s1 =	rddreg [dreg:$0x1];
	p0 =	sne.s32 s2, $0x0  }
0x71: {  	s3 =	rddreg [dreg:$0x2];
	[bflag:$0x3] =	sbarrier.arrive $0xFFFF;
	s2 =	simm.s32 @!p0 $0x1C01  }
0x72: {  	[timem:s3], [sflag:s2] =	dma.local @!p0 [hbm:s0], s1  }
0x73: {  	s0 =	simm.s32 @!p0 $0x1  }
0x74: {  	_ =	swait.ge @!p0 [sflag:s0], s1  }
0x75: {  	s1 =	ssub.s32 @!p0 $0x0, s1;
	[sflag:s0] =	ssyncset.done @!p0 $0x0  }
0x76: {  	[sflag:s0] =	ssyncadd.s32 @!p0 s1  }
0x77: {  	[bflag:$0x3] =	sbarrier.arrive $0xFFFF  }
0x78: {  	_ =	shalt  }

</sc_bundles>
